<compile_context>
chip_gen: v7x
topology: tpu7x:2x2x1
jax: 0.10.2.dev20260603
libtpu: 0.0.44.dev20260713+nightly
codegen_flags: <defaults>
</compile_context>

<pallas_src>
import functools

import jax
import jax.numpy as jnp
from jax import lax
from jax.experimental import pallas as pl
from jax.experimental.pallas import tpu as pltpu
from jax.experimental.pallas import tpu_sc as plsc


def _station_gather(station_table, station_id):
    _, d = station_table.shape
    b = station_id.shape[0]
    info = plsc.get_sparse_core_info()
    nc, ns = info.num_cores, info.num_subcores
    nw = nc * ns
    b_per_w = b // nw
    mesh = plsc.VectorSubcoreMesh(core_axis_name="c", subcore_axis_name="s")

    @functools.partial(
        pl.kernel,
        mesh=mesh,
        out_type=jax.ShapeDtypeStruct((b, d), jnp.float32),
        compiler_params=pltpu.CompilerParams(use_tc_tiling_on_sc=True),
        scratch_types=[
            pltpu.VMEM((b_per_w,), jnp.int32),
            pltpu.VMEM((b_per_w, d), jnp.float32),
            pltpu.SemaphoreType.DMA,
        ],
    )
    def gather_kernel(table_hbm, idx_hbm, out_hbm, idx_v, rows_v, sem):
        wid = lax.axis_index("s") * nc + lax.axis_index("c")
        start = wid * b_per_w
        pltpu.sync_copy(idx_hbm.at[pl.ds(start, b_per_w)], idx_v)
        pltpu.async_copy(table_hbm.at[idx_v], rows_v, sem).wait()
        pltpu.sync_copy(rows_v, out_hbm.at[pl.ds(start, b_per_w)])

    return gather_kernel(station_table, station_id)


def _tc_body(base_ref, pids_ref, gapt_ref, static_ref, st_ref,
             year_ref, month_ref, day_ref, hour_ref,
             time_w_ref, time_b_ref, static_w_ref, static_b_ref,
             gap_w1_ref, gap_b1_ref, gap_w2_ref, gap_b2_ref,
             gamma_ref, beta_ref, alphas_ref, out_ref, *,
             k, s_len, offs, sizes, n_pad, off_b):
    r = k * s_len
    a_t = alphas_ref[0]
    a_s = alphas_ref[1]
    a_g = alphas_ref[2]
    a_st = alphas_ref[3]

    pids = pids_ref[...]
    subl = lax.broadcasted_iota(jnp.int32, (128, r), 0).astype(jnp.bfloat16)
    sel = None
    for j in range(4):
        idj = ((pids >> (7 * j)) & 127).astype(jnp.bfloat16)
        hit = subl == idj
        sel = hit if sel is None else (sel | hit)
    rowb = (lax.broadcasted_iota(jnp.int32, (1, r), 1) // s_len
            + off_b).astype(jnp.bfloat16)
    sel = sel | (subl == rowb)

    fw = year_ref.shape[1]
    pads = []
    for j, tref in enumerate((year_ref, month_ref, day_ref, hour_ref)):
        pads.append(jnp.pad(tref[...],
                            ((0, 0), (j * fw, (3 - j) * fw))))
        gap_rows = (offs[j + 1] if j < 3 else off_b) - offs[j] - sizes[j]
        if gap_rows:
            pads.append(jnp.zeros((gap_rows, 4 * fw), jnp.float32))
    efull = jnp.concatenate(pads, axis=0)
    proj = jnp.dot(efull, time_w_ref[...],
                   preferred_element_type=jnp.float32)
    s = jnp.dot(static_ref[...], static_w_ref[...],
                preferred_element_type=jnp.float32)
    c = (a_s * (s + static_b_ref[...]) + a_st * st_ref[...]
         + a_t * time_b_ref[...] + a_g * gap_b2_ref[...])
    parts = [a_t * proj, c]
    if n_pad:
        parts.append(jnp.zeros((n_pad, 128), jnp.float32))
    tab = jnp.concatenate(parts, axis=0).astype(jnp.bfloat16)
    tn = (((0,), (0,)), ((), ()))
    add = lax.dot_general(sel.astype(jnp.bfloat16), tab, tn,
                          preferred_element_type=jnp.float32)

    w1 = gap_w1_ref[...].astype(jnp.bfloat16)
    g1 = lax.dot_general(gapt_ref[...], w1, tn,
                         preferred_element_type=jnp.float32) + gap_b1_ref[...]
    g1 = jnp.maximum(g1, 0.0).astype(jnp.bfloat16)
    w2 = (a_g * gap_w2_ref[...]).astype(jnp.bfloat16)
    g = jnp.dot(g1, w2, preferred_element_type=jnp.float32)

    z = base_ref[...].reshape(r, 128) + add + g
    mean = jnp.mean(z, axis=1, keepdims=True)
    zc = z - mean
    var = jnp.mean(zc * zc, axis=1, keepdims=True)
    zn = zc * lax.rsqrt(var + 1e-5) * gamma_ref[...] + beta_ref[...]
    out_ref[...] = zn.reshape(k, s_len, 128)


def kernel(base, time_raw, static, gap, station_id, year_emb, month_emb,
           day_emb, hour_emb, time_W, time_b, static_W, static_b, gap_W1,
           gap_b1, gap_W2, gap_b2, station_table, alpha_time, alpha_static,
           alpha_gap, alpha_station, ln_gamma, ln_beta):
    b, s_len, d = base.shape
    f = year_emb.shape[1]
    sizes = (year_emb.shape[0], month_emb.shape[0], day_emb.shape[0],
             hour_emb.shape[0])
    offs = (0, sizes[0], sizes[0] + sizes[1], sizes[0] + sizes[1] + sizes[2])
    n_cal = offs[3] + sizes[3]
    off_b = ((n_cal + 7) // 8) * 8
    k = 32
    assert off_b + k <= 128 and b % k == 0
    n_pad = 128 - off_b - k
    r = k * s_len

    st = _station_gather(station_table, station_id.astype(jnp.int32))

    alphas = jnp.stack([alpha_time, alpha_static, alpha_gap,
                        alpha_station]).astype(jnp.float32)
    row = lambda v: v.reshape(1, d)

    tr32 = time_raw.astype(jnp.int32)
    pids = (tr32[..., 0] + offs[0]
            + ((tr32[..., 1] + offs[1]) << 7)
            + ((tr32[..., 2] + offs[2]) << 14)
            + ((tr32[..., 3] + offs[3]) << 21)).reshape(1, b * s_len)
    gapt = gap.astype(jnp.bfloat16).reshape(b * s_len, gap.shape[-1]).T

    body = functools.partial(_tc_body, k=k, s_len=s_len, offs=offs,
                             sizes=sizes, n_pad=n_pad, off_b=off_b)
    blk = lambda shape: pl.BlockSpec(shape, lambda i: (0,) * len(shape))
    out = pl.pallas_call(
        body,
        grid=(b // k,),
        in_specs=[
            pl.BlockSpec((k, s_len, d), lambda i: (i, 0, 0)),
            pl.BlockSpec((1, k * s_len), lambda i: (0, i)),
            pl.BlockSpec((gap.shape[-1], k * s_len), lambda i: (0, i)),
            pl.BlockSpec((k, static.shape[-1]), lambda i: (i, 0)),
            pl.BlockSpec((k, d), lambda i: (i, 0)),
            blk(year_emb.shape),
            blk(month_emb.shape),
            blk(day_emb.shape),
            blk(hour_emb.shape),
            blk(time_W.shape),
            blk((1, d)),
            blk(static_W.shape),
            blk((1, d)),
            blk(gap_W1.shape),
            blk((1, d)),
            blk(gap_W2.shape),
            blk((1, d)),
            blk((1, d)),
            blk((1, d)),
            pl.BlockSpec(memory_space=pltpu.SMEM),
        ],
        out_specs=pl.BlockSpec((k, s_len, d), lambda i: (i, 0, 0)),
        out_shape=jax.ShapeDtypeStruct((b, s_len, d), jnp.float32),
        compiler_params=pltpu.CompilerParams(
            dimension_semantics=("arbitrary",)),
    )(base, pids, gapt, static, st, year_emb, month_emb, day_emb, hour_emb,
      time_W, row(time_b), static_W, row(static_b), gap_W1, row(gap_b1),
      gap_W2, row(gap_b2), row(ln_gamma), row(ln_beta), alphas)
    return out

# --- scband reference (transcript-rebuilt; emitter-appended) ---
"""Pipeline reference for scband-context-embedding-75084618269425 (READ-ONLY COPY).

The authoritative reference and input builder live on the scoring server;
editing this copy changes nothing except your own understanding.
"""

import jax, jax.numpy as jnp
import numpy as np

B, S, D = 1024, 200, 128
NUM_STATIONS = 100000
NUM_YEARS = 20


def setup_inputs(seed: int = 0) -> dict:
    key = jax.random.key(seed)
    ks = jax.random.split(key, 24)
    inp = {}
    inp["base"] = jax.random.normal(ks[0], (B, S, D), dtype=jnp.float32)
    inp["time_raw"] = jax.random.randint(ks[1], (B, S, 4), 0, 12)
    inp["static"] = jax.random.normal(ks[2], (B, 16), dtype=jnp.float32)
    inp["gap"] = jax.random.normal(ks[3], (B, S, 8), dtype=jnp.float32)
    inp["station_id"] = jax.random.randint(ks[4], (B,), 0, NUM_STATIONS)
    inp["year_emb"] = jax.random.normal(ks[5], (NUM_YEARS, 4), dtype=jnp.float32) * 0.02
    inp["month_emb"] = jax.random.normal(ks[6], (12, 4), dtype=jnp.float32) * 0.02
    inp["day_emb"] = jax.random.normal(ks[7], (31, 4), dtype=jnp.float32) * 0.02
    inp["hour_emb"] = jax.random.normal(ks[8], (24, 4), dtype=jnp.float32) * 0.02
    inp["time_W"] = jax.random.normal(ks[9], (16, D), dtype=jnp.float32) * 0.05
    inp["time_b"] = jnp.zeros((D,), dtype=jnp.float32)
    inp["static_W"] = jax.random.normal(ks[10], (16, D), dtype=jnp.float32) * 0.05
    inp["static_b"] = jnp.zeros((D,), dtype=jnp.float32)
    inp["gap_W1"] = jax.random.normal(ks[11], (8, D), dtype=jnp.float32) * 0.05
    inp["gap_b1"] = jnp.zeros((D,), dtype=jnp.float32)
    inp["gap_W2"] = jax.random.normal(ks[12], (D, D), dtype=jnp.float32) * 0.05
    inp["gap_b2"] = jnp.zeros((D,), dtype=jnp.float32)
    inp["station_table"] = jax.random.normal(ks[13], (NUM_STATIONS, D), dtype=jnp.float32) * 0.02
    inp["alpha_time"] = jnp.asarray(0.1, dtype=jnp.float32)
    inp["alpha_static"] = jnp.asarray(0.1, dtype=jnp.float32)
    inp["alpha_gap"] = jnp.asarray(0.1, dtype=jnp.float32)
    inp["alpha_station"] = jnp.asarray(0.1, dtype=jnp.float32)
    inp["ln_gamma"] = jnp.ones((D,), dtype=jnp.float32)
    inp["ln_beta"] = jnp.zeros((D,), dtype=jnp.float32)
    return inp


def reference(base, time_raw, static, gap, station_id, year_emb, month_emb, day_emb, hour_emb, time_W, time_b, static_W, static_b, gap_W1, gap_b1, gap_W2, gap_b2, station_table, alpha_time, alpha_static, alpha_gap, alpha_station, ln_gamma, ln_beta):
    # CalendarTimeEmbedding: positions year=0, month=1, day=2, hour=3
    year_id = jnp.clip(time_raw[..., 0], 0, NUM_YEARS - 1)
    month_id = jnp.clip(time_raw[..., 1], 0, 11)
    day_id = jnp.clip(time_raw[..., 2], 0, 30)
    hour_id = jnp.clip(time_raw[..., 3], 0, 23)
    e = jnp.concatenate([
        jnp.take(year_emb, year_id, axis=0),
        jnp.take(month_emb, month_id, axis=0),
        jnp.take(day_emb, day_id, axis=0),
        jnp.take(hour_emb, hour_id, axis=0),
    ], axis=-1)
    t = e @ time_W + time_b
    z = base + alpha_time * t
    s = static @ static_W + static_b
    z = z + alpha_static * s[:, None, :]
    g = jax.nn.relu(gap @ gap_W1 + gap_b1) @ gap_W2 + gap_b2
    z = z + alpha_gap * g
    st = jnp.take(station_table, station_id, axis=0)
    z = z + alpha_station * st[:, None, :]
    mean = jnp.mean(z, axis=-1, keepdims=True)
    var = jnp.var(z, axis=-1, keepdims=True)
    zn = (z - mean) / jnp.sqrt(var + 1e-5) * ln_gamma + ln_beta
    # dropout is identity in eval mode
    return zn

if __name__ == "__main__":
    import jax
    _d = setup_inputs()
    print(jax.jit(kernel)(*tuple(_d.values())))

</pallas_src>

<mosaic_0001>
#map = affine_map<(d0, d1) -> (0, 0)>
#map1 = affine_map<(d0, d1) -> (0)>
module attributes {stable_mosaic.version = 14 : i64} {
  func.func @gather_kernel(%arg0: i32, %arg1: i32, %arg2: memref<100000x128xf32, #tpu.memory_space<hbm>>, %arg3: memref<1024xi32, #tpu.memory_space<hbm>>, %arg4: memref<1024x128xf32, #tpu.memory_space<hbm>>, %arg5: memref<32xi32, #tpu.memory_space<vmem>>, %arg6: memref<32x128xf32, #tpu.memory_space<vmem>>, %arg7: memref<!tpu.dma_semaphore, #tpu.memory_space<semaphore_mem>>) attributes {dimension_semantics = [#tpu.dimension_semantics<core_parallel>, #tpu.dimension_semantics<subcore_parallel>], iteration_bounds = array<i64: 2, 16>, scalar_prefetch = 0 : i64, scratch_operands = 3 : i64, tpu.core_type = #tpu.core_type<sc_vector_subcore>, window_params = [{transform_indices = #map}, {transform_indices = #map1}, {transform_indices = #map}]} {
    %mul3A = arith.constant 2 : i32
    %mul3A_0 = arith.muli %arg1, %mul3A : i32
    %add3A = arith.addi %mul3A_0, %arg0 : i32
    %mul3A_1 = arith.constant 32 : i32
    %mul3A_2 = arith.muli %add3A, %mul3A_1 : i32
    "tpu.region"() ({
      %run_scoped3A = tpu.sem_alloc : memref<!tpu.dma_semaphore, #tpu.memory_space<semaphore_mem>>
      %dma_start3A_7 = tpu.memref_slice %arg3[%mul3A_2] : memref<1024xi32, #tpu.memory_space<hbm>> -> memref<32xi32, #tpu.memory_space<hbm>>
      %dma_start3A_8 = tpu.memref_slice %arg3[%mul3A_2] : memref<1024xi32, #tpu.memory_space<hbm>> -> memref<32xi32, #tpu.memory_space<hbm>>
      tpu.enqueue_dma source(%dma_start3A_8 : memref<32xi32, #tpu.memory_space<hbm>>) target(%arg5 : memref<32xi32, #tpu.memory_space<vmem>>) target_semaphore(%run_scoped3A : memref<!tpu.dma_semaphore, #tpu.memory_space<semaphore_mem>>)
      %dma_wait3A_9 = tpu.memref_slice %arg3[%mul3A_2] : memref<1024xi32, #tpu.memory_space<hbm>> -> memref<32xi32, #tpu.memory_space<hbm>>
      %dma_wait3A_10 = tpu.memref_slice %arg3[%mul3A_2] : memref<1024xi32, #tpu.memory_space<hbm>> -> memref<32xi32, #tpu.memory_space<hbm>>
      tpu.wait_dma2 semaphore(%run_scoped3A : memref<!tpu.dma_semaphore, #tpu.memory_space<semaphore_mem>>) src(%dma_wait3A_10 : memref<32xi32, #tpu.memory_space<hbm>>) dst(%arg5 : memref<32xi32, #tpu.memory_space<vmem>>)
      tpu.yield
    }) : () -> ()
    %dma_start3A = arith.constant 0 : i32
    %dma_start3A_3 = arith.constant 0 : i32
    %dma_start3A_4 = tpu.memref_slice %arg2[%dma_start3A, %dma_start3A_3] : memref<100000x128xf32, #tpu.memory_space<hbm>> -> memref<100000x128xf32, #tpu.memory_space<hbm>>
    tpu.enqueue_indirect_dma source(%dma_start3A_4 : memref<100000x128xf32, #tpu.memory_space<hbm>>) target(%arg6 : memref<32x128xf32, #tpu.memory_space<vmem>>) offsets(%arg5 : memref<32xi32, #tpu.memory_space<vmem>>) semaphore(%arg7 : memref<!tpu.dma_semaphore, #tpu.memory_space<semaphore_mem>>)
    %dma_wait3A = arith.constant 0 : i32
    %dma_wait3A_5 = arith.constant 0 : i32
    %dma_wait3A_6 = tpu.memref_slice %arg2[%dma_wait3A, %dma_wait3A_5] : memref<100000x128xf32, #tpu.memory_space<hbm>> -> memref<100000x128xf32, #tpu.memory_space<hbm>>
    tpu.wait_indirect_dma semaphore(%arg7 : memref<!tpu.dma_semaphore, #tpu.memory_space<semaphore_mem>>) src(%dma_wait3A_6 : memref<100000x128xf32, #tpu.memory_space<hbm>>) dst(%arg6 : memref<32x128xf32, #tpu.memory_space<vmem>>)
    "tpu.region"() ({
      %run_scoped3A = tpu.sem_alloc : memref<!tpu.dma_semaphore, #tpu.memory_space<semaphore_mem>>
      %dma_start3A_7 = arith.constant 0 : i32
      %dma_start3A_8 = tpu.memref_slice %arg4[%mul3A_2, %dma_start3A_7] : memref<1024x128xf32, #tpu.memory_space<hbm>> -> memref<32x128xf32, #tpu.memory_space<hbm>>
      %dma_start3A_9 = arith.constant 0 : i32
      %dma_start3A_10 = tpu.memref_slice %arg4[%mul3A_2, %dma_start3A_9] : memref<1024x128xf32, #tpu.memory_space<hbm>> -> memref<32x128xf32, #tpu.memory_space<hbm>>
      tpu.enqueue_dma source(%arg6 : memref<32x128xf32, #tpu.memory_space<vmem>>) target(%dma_start3A_10 : memref<32x128xf32, #tpu.memory_space<hbm>>) target_semaphore(%run_scoped3A : memref<!tpu.dma_semaphore, #tpu.memory_space<semaphore_mem>>)
      %dma_wait3A_11 = arith.constant 0 : i32
      %dma_wait3A_12 = tpu.memref_slice %arg4[%mul3A_2, %dma_wait3A_11] : memref<1024x128xf32, #tpu.memory_space<hbm>> -> memref<32x128xf32, #tpu.memory_space<hbm>>
      %dma_wait3A_13 = arith.constant 0 : i32
      %dma_wait3A_14 = tpu.memref_slice %arg4[%mul3A_2, %dma_wait3A_13] : memref<1024x128xf32, #tpu.memory_space<hbm>> -> memref<32x128xf32, #tpu.memory_space<hbm>>
      tpu.wait_dma2 semaphore(%run_scoped3A : memref<!tpu.dma_semaphore, #tpu.memory_space<semaphore_mem>>) src(%arg6 : memref<32x128xf32, #tpu.memory_space<vmem>>) dst(%dma_wait3A_14 : memref<32x128xf32, #tpu.memory_space<hbm>>)
      tpu.yield
    }) : () -> ()
    return
  }
}

module attributes {stable_mosaic.version = 14 : i64} {
  func.func @_tc_body(%arg0: i32, %arg1: memref<32x200x128xf32, #tpu.memory_space<vmem>>, %arg2: memref<1x6400xi32, #tpu.memory_space<vmem>>, %arg3: memref<8x6400xbf16, #tpu.memory_space<vmem>>, %arg4: memref<32x16xf32, #tpu.memory_space<vmem>>, %arg5: memref<32x128xf32, #tpu.memory_space<vmem>>, %arg6: memref<20x4xf32, #tpu.memory_space<vmem>>, %arg7: memref<12x4xf32, #tpu.memory_space<vmem>>, %arg8: memref<31x4xf32, #tpu.memory_space<vmem>>, %arg9: memref<24x4xf32, #tpu.memory_space<vmem>>, %arg10: memref<16x128xf32, #tpu.memory_space<vmem>>, %arg11: memref<1x128xf32, #tpu.memory_space<vmem>>, %arg12: memref<16x128xf32, #tpu.memory_space<vmem>>, %arg13: memref<1x128xf32, #tpu.memory_space<vmem>>, %arg14: memref<8x128xf32, #tpu.memory_space<vmem>>, %arg15: memref<1x128xf32, #tpu.memory_space<vmem>>, %arg16: memref<128x128xf32, #tpu.memory_space<vmem>>, %arg17: memref<1x128xf32, #tpu.memory_space<vmem>>, %arg18: memref<1x128xf32, #tpu.memory_space<vmem>>, %arg19: memref<1x128xf32, #tpu.memory_space<vmem>>, %arg20: memref<4xf32, #tpu.memory_space<smem>>, %arg21: memref<32x200x128xf32, #tpu.memory_space<vmem>>) attributes {dimension_semantics = [#tpu.dimension_semantics<arbitrary>], iteration_bounds = array<i64: 32>, scalar_prefetch = 0 : i64, scratch_operands = 0 : i64, tpu.core_type = #tpu.core_type<tc>, window_params = [{transform_indices = @transform_0, window_bounds = array<i64: 32, 200, 128>}, {transform_indices = @transform_1, window_bounds = array<i64: 1, 6400>}, {transform_indices = @transform_2, window_bounds = array<i64: 8, 6400>}, {transform_indices = @transform_3, window_bounds = array<i64: 32, 16>}, {transform_indices = @transform_4, window_bounds = array<i64: 32, 128>}, {pipeline_mode = #tpu.pipeline_mode<synchronous>, transform_indices = @transform_5, window_bounds = array<i64: 20, 4>}, {pipeline_mode = #tpu.pipeline_mode<synchronous>, transform_indices = @transform_6, window_bounds = array<i64: 12, 4>}, {pipeline_mode = #tpu.pipeline_mode<synchronous>, transform_indices = @transform_7, window_bounds = array<i64: 31, 4>}, {pipeline_mode = #tpu.pipeline_mode<synchronous>, transform_indices = @transform_8, window_bounds = array<i64: 24, 4>}, {pipeline_mode = #tpu.pipeline_mode<synchronous>, transform_indices = @transform_9, window_bounds = array<i64: 16, 128>}, {pipeline_mode = #tpu.pipeline_mode<synchronous>, transform_indices = @transform_10, window_bounds = array<i64: 1, 128>}, {pipeline_mode = #tpu.pipeline_mode<synchronous>, transform_indices = @transform_11, window_bounds = array<i64: 16, 128>}, {pipeline_mode = #tpu.pipeline_mode<synchronous>, transform_indices = @transform_12, window_bounds = array<i64: 1, 128>}, {pipeline_mode = #tpu.pipeline_mode<synchronous>, transform_indices = @transform_13, window_bounds = array<i64: 8, 128>}, {pipeline_mode = #tpu.pipeline_mode<synchronous>, transform_indices = @transform_14, window_bounds = array<i64: 1, 128>}, {pipeline_mode = #tpu.pipeline_mode<synchronous>, transform_indices = @transform_15, window_bounds = array<i64: 128, 128>}, {pipeline_mode = #tpu.pipeline_mode<synchronous>, transform_indices = @transform_16, window_bounds = array<i64: 1, 128>}, {pipeline_mode = #tpu.pipeline_mode<synchronous>, transform_indices = @transform_17, window_bounds = array<i64: 1, 128>}, {pipeline_mode = #tpu.pipeline_mode<synchronous>, transform_indices = @transform_18, window_bounds = array<i64: 1, 128>}, {transform_indices = @transform_19, window_bounds = array<i64: 4>}, {transform_indices = @transform_20, window_bounds = array<i64: 32, 200, 128>}]} {
    %get3A = arith.constant 0 : index
    %get3A_0 = memref.load %arg20[%get3A] : memref<4xf32, #tpu.memory_space<smem>>
    %get3A_1 = arith.constant 1 : index
    %get3A_2 = memref.load %arg20[%get3A_1] : memref<4xf32, #tpu.memory_space<smem>>
    %get3A_3 = arith.constant 2 : index
    %get3A_4 = memref.load %arg20[%get3A_3] : memref<4xf32, #tpu.memory_space<smem>>
    %get3A_5 = arith.constant 3 : index
    %get3A_6 = memref.load %arg20[%get3A_5] : memref<4xf32, #tpu.memory_space<smem>>
    %get3A_7 = arith.constant 0 : index
    %get3A_8 = arith.constant 0 : index
    %get3A_9 = vector.load %arg2[%get3A_7, %get3A_8] : memref<1x6400xi32, #tpu.memory_space<vmem>>, vector<1x6400xi32>
    %iota3A = tpu.iota {dimensions = array<i32: 0>} : vector<128x6400xi32>
    %convert_element_type3A = arith.sitofp %iota3A : vector<128x6400xi32> to vector<128x6400xbf16>
    %shift_right_arithmetic3A = arith.constant 0 : i32
    %shift_right_arithmetic3A_10 = vector.broadcast %shift_right_arithmetic3A : i32 to vector<1x6400xi32>
    %shift_right_arithmetic3A_11 = arith.shrsi %get3A_9, %shift_right_arithmetic3A_10 : vector<1x6400xi32>
    %and3A = arith.constant 127 : i32
    %and3A_12 = vector.broadcast %and3A : i32 to vector<1x6400xi32>
    %and3A_13 = arith.andi %shift_right_arithmetic3A_11, %and3A_12 : vector<1x6400xi32>
    %convert_element_type3A_14 = arith.sitofp %and3A_13 : vector<1x6400xi32> to vector<1x6400xbf16>
    %eq3A = vector.broadcast %convert_element_type3A_14 : vector<1x6400xbf16> to vector<128x6400xbf16>
    %eq3A_15 = arith.cmpf oeq, %convert_element_type3A, %eq3A : vector<128x6400xbf16>
    %shift_right_arithmetic3A_16 = arith.constant 7 : i32
    %shift_right_arithmetic3A_17 = vector.broadcast %shift_right_arithmetic3A_16 : i32 to vector<1x6400xi32>
    %shift_right_arithmetic3A_18 = arith.shrsi %get3A_9, %shift_right_arithmetic3A_17 : vector<1x6400xi32>
    %and3A_19 = arith.constant 127 : i32
    %and3A_20 = vector.broadcast %and3A_19 : i32 to vector<1x6400xi32>
    %and3A_21 = arith.andi %shift_right_arithmetic3A_18, %and3A_20 : vector<1x6400xi32>
    %convert_element_type3A_22 = arith.sitofp %and3A_21 : vector<1x6400xi32> to vector<1x6400xbf16>
    %eq3A_23 = vector.broadcast %convert_element_type3A_22 : vector<1x6400xbf16> to vector<128x6400xbf16>
    %eq3A_24 = arith.cmpf oeq, %convert_element_type3A, %eq3A_23 : vector<128x6400xbf16>
    %or3A = arith.ori %eq3A_15, %eq3A_24 : vector<128x6400xi1>
    %shift_right_arithmetic3A_25 = arith.constant 14 : i32
    %shift_right_arithmetic3A_26 = vector.broadcast %shift_right_arithmetic3A_25 : i32 to vector<1x6400xi32>
    %shift_right_arithmetic3A_27 = arith.shrsi %get3A_9, %shift_right_arithmetic3A_26 : vector<1x6400xi32>
    %and3A_28 = arith.constant 127 : i32
    %and3A_29 = vector.broadcast %and3A_28 : i32 to vector<1x6400xi32>
    %and3A_30 = arith.andi %shift_right_arithmetic3A_27, %and3A_29 : vector<1x6400xi32>
    %convert_element_type3A_31 = arith.sitofp %and3A_30 : vector<1x6400xi32> to vector<1x6400xbf16>
    %eq3A_32 = vector.broadcast %convert_element_type3A_31 : vector<1x6400xbf16> to vector<128x6400xbf16>
    %eq3A_33 = arith.cmpf oeq, %convert_element_type3A, %eq3A_32 : vector<128x6400xbf16>
    %or3A_34 = arith.ori %or3A, %eq3A_33 : vector<128x6400xi1>
    %shift_right_arithmetic3A_35 = arith.constant 21 : i32
    %shift_right_arithmetic3A_36 = vector.broadcast %shift_right_arithmetic3A_35 : i32 to vector<1x6400xi32>
    %shift_right_arithmetic3A_37 = arith.shrsi %get3A_9, %shift_right_arithmetic3A_36 : vector<1x6400xi32>
    %and3A_38 = arith.constant 127 : i32
    %and3A_39 = vector.broadcast %and3A_38 : i32 to vector<1x6400xi32>
    %and3A_40 = arith.andi %shift_right_arithmetic3A_37, %and3A_39 : vector<1x6400xi32>
    %convert_element_type3A_41 = arith.sitofp %and3A_40 : vector<1x6400xi32> to vector<1x6400xbf16>
    %eq3A_42 = vector.broadcast %convert_element_type3A_41 : vector<1x6400xbf16> to vector<128x6400xbf16>
    %eq3A_43 = arith.cmpf oeq, %convert_element_type3A, %eq3A_42 : vector<128x6400xbf16>
    %or3A_44 = arith.ori %or3A_34, %eq3A_43 : vector<128x6400xi1>
    %iota3A_45 = tpu.iota {dimensions = array<i32: 1>} : vector<1x6400xi32>
    %jit3A = arith.constant 200 : i32
    %div3A = vector.broadcast %jit3A : i32 to vector<1x6400xi32>
    %div3A_46 = arith.divsi %iota3A_45, %div3A : vector<1x6400xi32>
    %sign3A = arith.constant 0 : i32
    %sign3A_47 = vector.broadcast %sign3A : i32 to vector<1x6400xi32>
    %sign3A_48 = arith.cmpi sgt, %iota3A_45, %sign3A_47 : vector<1x6400xi32>
    %sign3A_49 = arith.extui %sign3A_48 : vector<1x6400xi1> to vector<1x6400xi32>
    %sign3A_50 = arith.constant 0 : i32
    %sign3A_51 = vector.broadcast %sign3A_50 : i32 to vector<1x6400xi32>
    %sign3A_52 = arith.cmpi slt, %iota3A_45, %sign3A_51 : vector<1x6400xi32>
    %sign3A_53 = arith.extui %sign3A_52 : vector<1x6400xi1> to vector<1x6400xi32>
    %sign3A_54 = arith.subi %sign3A_49, %sign3A_53 : vector<1x6400xi32>
    %sign3A_55 = arith.constant 0 : i32
    %sign3A_56 = arith.cmpi sgt, %jit3A, %sign3A_55 : i32
    %sign3A_57 = arith.extui %sign3A_56 : i1 to i32
    %sign3A_58 = arith.constant 0 : i32
    %sign3A_59 = arith.cmpi slt, %jit3A, %sign3A_58 : i32
    %sign3A_60 = arith.extui %sign3A_59 : i1 to i32
    %sign3A_61 = arith.subi %sign3A_57, %sign3A_60 : i32
    %ne3A = vector.broadcast %sign3A_61 : i32 to vector<1x6400xi32>
    %ne3A_62 = arith.cmpi ne, %sign3A_54, %ne3A : vector<1x6400xi32>
    %rem3A = vector.broadcast %jit3A : i32 to vector<1x6400xi32>
    %rem3A_63 = arith.remsi %iota3A_45, %rem3A : vector<1x6400xi32>
    %ne3A_64 = arith.constant 0 : i32
    %ne3A_65 = vector.broadcast %ne3A_64 : i32 to vector<1x6400xi32>
    %ne3A_66 = arith.cmpi ne, %rem3A_63, %ne3A_65 : vector<1x6400xi32>
    %and3A_67 = arith.andi %ne3A_62, %ne3A_66 : vector<1x6400xi1>
    %sub3A = arith.constant 1 : i32
    %sub3A_68 = vector.broadcast %sub3A : i32 to vector<1x6400xi32>
    %sub3A_69 = arith.subi %div3A_46, %sub3A_68 : vector<1x6400xi32>
    %select_n3A = arith.select %and3A_67, %sub3A_69, %div3A_46 : vector<1x6400xi1>, vector<1x6400xi32>
    %add3A = arith.constant 88 : i32
    %add3A_70 = vector.broadcast %add3A : i32 to vector<1x6400xi32>
    %add3A_71 = arith.addi %select_n3A, %add3A_70 : vector<1x6400xi32>
    %convert_element_type3A_72 = arith.sitofp %add3A_71 : vector<1x6400xi32> to vector<1x6400xbf16>
    %eq3A_73 = vector.broadcast %convert_element_type3A_72 : vector<1x6400xbf16> to vector<128x6400xbf16>
    %eq3A_74 = arith.cmpf oeq, %convert_element_type3A, %eq3A_73 : vector<128x6400xbf16>
    %or3A_75 = arith.ori %or3A_44, %eq3A_74 : vector<128x6400xi1>
    %get3A_76 = arith.constant 0 : index
    %get3A_77 = arith.constant 0 : index
    %get3A_78 = vector.load %arg6[%get3A_76, %get3A_77] : memref<20x4xf32, #tpu.memory_space<vmem>>, vector<20x4xf32>
    %jit3A_79 = arith.constant 0 : i32
    %convert_element_type3A_80 = arith.sitofp %jit3A_79 : i32 to f32
    %pad3A = vector.broadcast %convert_element_type3A_80 : f32 to vector<20x12xf32>
    %pad3A_81 = tpu.concatenate %get3A_78, %pad3A in 1 : vector<20x4xf32>, vector<20x12xf32> -> vector<20x16xf32>
    %get3A_82 = arith.constant 0 : index
    %get3A_83 = arith.constant 0 : index
    %get3A_84 = vector.load %arg7[%get3A_82, %get3A_83] : memref<12x4xf32, #tpu.memory_space<vmem>>, vector<12x4xf32>
    %jit3A_85 = arith.constant 0 : i32
    %convert_element_type3A_86 = arith.sitofp %jit3A_85 : i32 to f32
    %pad3A_87 = vector.broadcast %convert_element_type3A_86 : f32 to vector<12x4xf32>
    %pad3A_88 = tpu.concatenate %pad3A_87, %get3A_84 in 1 : vector<12x4xf32>, vector<12x4xf32> -> vector<12x8xf32>
    %pad3A_89 = vector.broadcast %convert_element_type3A_86 : f32 to vector<12x8xf32>
    %pad3A_90 = tpu.concatenate %pad3A_88, %pad3A_89 in 1 : vector<12x8xf32>, vector<12x8xf32> -> vector<12x16xf32>
    %get3A_91 = arith.constant 0 : index
    %get3A_92 = arith.constant 0 : index
    %get3A_93 = vector.load %arg8[%get3A_91, %get3A_92] : memref<31x4xf32, #tpu.memory_space<vmem>>, vector<31x4xf32>
    %jit3A_94 = arith.constant 0 : i32
    %convert_element_type3A_95 = arith.sitofp %jit3A_94 : i32 to f32
    %pad3A_96 = vector.broadcast %convert_element_type3A_95 : f32 to vector<31x8xf32>
    %pad3A_97 = tpu.concatenate %pad3A_96, %get3A_93 in 1 : vector<31x8xf32>, vector<31x4xf32> -> vector<31x12xf32>
    %pad3A_98 = vector.broadcast %convert_element_type3A_95 : f32 to vector<31x4xf32>
    %pad3A_99 = tpu.concatenate %pad3A_97, %pad3A_98 in 1 : vector<31x12xf32>, vector<31x4xf32> -> vector<31x16xf32>
    %get3A_100 = arith.constant 0 : index
    %get3A_101 = arith.constant 0 : index
    %get3A_102 = vector.load %arg9[%get3A_100, %get3A_101] : memref<24x4xf32, #tpu.memory_space<vmem>>, vector<24x4xf32>
    %jit3A_103 = arith.constant 0 : i32
    %convert_element_type3A_104 = arith.sitofp %jit3A_103 : i32 to f32
    %pad3A_105 = vector.broadcast %convert_element_type3A_104 : f32 to vector<24x12xf32>
    %pad3A_106 = tpu.concatenate %pad3A_105, %get3A_102 in 1 : vector<24x12xf32>, vector<24x4xf32> -> vector<24x16xf32>
    %broadcast_in_dim3A = arith.constant 0.000000e+00 : f32
    %broadcast_in_dim3A_107 = vector.broadcast %broadcast_in_dim3A : f32 to vector<1x16xf32>
    %concatenate3A = tpu.concatenate %pad3A_81, %pad3A_90, %pad3A_99, %pad3A_106, %broadcast_in_dim3A_107 in 0 : vector<20x16xf32>, vector<12x16xf32>, vector<31x16xf32>, vector<24x16xf32>, vector<1x16xf32> -> vector<88x16xf32>
    %get3A_108 = arith.constant 0 : index
    %get3A_109 = arith.constant 0 : index
    %get3A_110 = vector.load %arg10[%get3A_108, %get3A_109] : memref<16x128xf32, #tpu.memory_space<vmem>>, vector<16x128xf32>
    %dot_general3A = arith.constant dense<0.000000e+00> : vector<88x128xf32>
    %dot_general3A_111 = tpu.matmul %concatenate3A, %get3A_110, %dot_general3A {dimension_numbers = #tpu.dot_dimension_numbers<[1], [0], [0], [1], [0, 0, 1, 1], [], []>, transpose_lhs_hint = false} : vector<88x16xf32>, vector<16x128xf32>, vector<88x128xf32> -> vector<88x128xf32>
    %get3A_112 = arith.constant 0 : index
    %get3A_113 = arith.constant 0 : index
    %get3A_114 = vector.load %arg4[%get3A_112, %get3A_113] : memref<32x16xf32, #tpu.memory_space<vmem>>, vector<32x16xf32>
    %get3A_115 = arith.constant 0 : index
    %get3A_116 = arith.constant 0 : index
    %get3A_117 = vector.load %arg12[%get3A_115, %get3A_116] : memref<16x128xf32, #tpu.memory_space<vmem>>, vector<16x128xf32>
    %dot_general3A_118 = arith.constant dense<0.000000e+00> : vector<32x128xf32>
    %dot_general3A_119 = tpu.matmul %get3A_114, %get3A_117, %dot_general3A_118 {dimension_numbers = #tpu.dot_dimension_numbers<[1], [0], [0], [1], [0, 0, 1, 1], [], []>, transpose_lhs_hint = false} : vector<32x16xf32>, vector<16x128xf32>, vector<32x128xf32> -> vector<32x128xf32>
    %get3A_120 = arith.constant 0 : index
    %get3A_121 = arith.constant 0 : index
    %get3A_122 = vector.load %arg13[%get3A_120, %get3A_121] : memref<1x128xf32, #tpu.memory_space<vmem>>, vector<1x128xf32>
    %add3A_123 = vector.broadcast %get3A_122 : vector<1x128xf32> to vector<32x128xf32>
    %add3A_124 = arith.addf %dot_general3A_119, %add3A_123 : vector<32x128xf32>
    %mul3A = vector.broadcast %get3A_2 : f32 to vector<32x128xf32>
    %mul3A_125 = arith.mulf %mul3A, %add3A_124 : vector<32x128xf32>
    %get3A_126 = arith.constant 0 : index
    %get3A_127 = arith.constant 0 : index
    %get3A_128 = vector.load %arg5[%get3A_126, %get3A_127] : memref<32x128xf32, #tpu.memory_space<vmem>>, vector<32x128xf32>
    %mul3A_129 = vector.broadcast %get3A_6 : f32 to vector<32x128xf32>
    %mul3A_130 = arith.mulf %mul3A_129, %get3A_128 : vector<32x128xf32>
    %add3A_131 = arith.addf %mul3A_125, %mul3A_130 : vector<32x128xf32>
    %get3A_132 = arith.constant 0 : index
    %get3A_133 = arith.constant 0 : index
    %get3A_134 = vector.load %arg11[%get3A_132, %get3A_133] : memref<1x128xf32, #tpu.memory_space<vmem>>, vector<1x128xf32>
    %mul3A_135 = vector.broadcast %get3A_0 : f32 to vector<1x128xf32>
    %mul3A_136 = arith.mulf %mul3A_135, %get3A_134 : vector<1x128xf32>
    %add3A_137 = vector.broadcast %mul3A_136 : vector<1x128xf32> to vector<32x128xf32>
    %add3A_138 = arith.addf %add3A_131, %add3A_137 : vector<32x128xf32>
    %get3A_139 = arith.constant 0 : index
    %get3A_140 = arith.constant 0 : index
    %get3A_141 = vector.load %arg17[%get3A_139, %get3A_140] : memref<1x128xf32, #tpu.memory_space<vmem>>, vector<1x128xf32>
    %mul3A_142 = vector.broadcast %get3A_4 : f32 to vector<1x128xf32>
    %mul3A_143 = arith.mulf %mul3A_142, %get3A_141 : vector<1x128xf32>
    %add3A_144 = vector.broadcast %mul3A_143 : vector<1x128xf32> to vector<32x128xf32>
    %add3A_145 = arith.addf %add3A_138, %add3A_144 : vector<32x128xf32>
    %mul3A_146 = vector.broadcast %get3A_0 : f32 to vector<88x128xf32>
    %mul3A_147 = arith.mulf %mul3A_146, %dot_general3A_111 : vector<88x128xf32>
    %broadcast_in_dim3A_148 = arith.constant 0.000000e+00 : f32
    %broadcast_in_dim3A_149 = vector.broadcast %broadcast_in_dim3A_148 : f32 to vector<8x128xf32>
    %concatenate3A_150 = tpu.concatenate %mul3A_147, %add3A_145, %broadcast_in_dim3A_149 in 0 : vector<88x128xf32>, vector<32x128xf32>, vector<8x128xf32> -> vector<128x128xf32>
    %convert_element_type3A_151 = arith.truncf %concatenate3A_150 : vector<128x128xf32> to vector<128x128xbf16>
    %convert_element_type3A_152 = arith.extui %or3A_75 : vector<128x6400xi1> to vector<128x6400xi32>
    %convert_element_type3A_153 = arith.sitofp %convert_element_type3A_152 : vector<128x6400xi32> to vector<128x6400xf32>
    %convert_element_type3A_154 = arith.truncf %convert_element_type3A_153 : vector<128x6400xf32> to vector<128x6400xbf16>
    %dot_general3A_155 = arith.constant dense<0.000000e+00> : vector<6400x128xf32>
    %dot_general3A_156 = tpu.matmul %convert_element_type3A_154, %convert_element_type3A_151, %dot_general3A_155 {dimension_numbers = #tpu.dot_dimension_numbers<[0], [0], [1], [1], [0, 1, 1, 1], [], []>, transpose_lhs_hint = false} : vector<128x6400xbf16>, vector<128x128xbf16>, vector<6400x128xf32> -> vector<6400x128xf32>
    %get3A_157 = arith.constant 0 : index
    %get3A_158 = arith.constant 0 : index
    %get3A_159 = vector.load %arg14[%get3A_157, %get3A_158] : memref<8x128xf32, #tpu.memory_space<vmem>>, vector<8x128xf32>
    %convert_element_type3A_160 = arith.truncf %get3A_159 : vector<8x128xf32> to vector<8x128xbf16>
    %get3A_161 = arith.constant 0 : index
    %get3A_162 = arith.constant 0 : index
    %get3A_163 = vector.load %arg3[%get3A_161, %get3A_162] : memref<8x6400xbf16, #tpu.memory_space<vmem>>, vector<8x6400xbf16>
    %dot_general3A_164 = arith.constant dense<0.000000e+00> : vector<6400x128xf32>
    %dot_general3A_165 = tpu.matmul %get3A_163, %convert_element_type3A_160, %dot_general3A_164 {dimension_numbers = #tpu.dot_dimension_numbers<[0], [0], [1], [1], [0, 1, 1, 1], [], []>, transpose_lhs_hint = false} : vector<8x6400xbf16>, vector<8x128xbf16>, vector<6400x128xf32> -> vector<6400x128xf32>
    %get3A_166 = arith.constant 0 : index
    %get3A_167 = arith.constant 0 : index
    %get3A_168 = vector.load %arg15[%get3A_166, %get3A_167] : memref<1x128xf32, #tpu.memory_space<vmem>>, vector<1x128xf32>
    %add3A_169 = vector.broadcast %get3A_168 : vector<1x128xf32> to vector<6400x128xf32>
    %add3A_170 = arith.addf %dot_general3A_165, %add3A_169 : vector<6400x128xf32>
    %max3A = arith.constant 0.000000e+00 : f32
    %max3A_171 = vector.broadcast %max3A : f32 to vector<6400x128xf32>
    %max3A_172 = arith.maximumf %add3A_170, %max3A_171 : vector<6400x128xf32>
    %convert_element_type3A_173 = arith.truncf %max3A_172 : vector<6400x128xf32> to vector<6400x128xbf16>
    %get3A_174 = arith.constant 0 : index
    %get3A_175 = arith.constant 0 : index
    %get3A_176 = vector.load %arg16[%get3A_174, %get3A_175] : memref<128x128xf32, #tpu.memory_space<vmem>>, vector<128x128xf32>
    %mul3A_177 = vector.broadcast %get3A_4 : f32 to vector<128x128xf32>
    %mul3A_178 = arith.mulf %mul3A_177, %get3A_176 : vector<128x128xf32>
    %convert_element_type3A_179 = arith.truncf %mul3A_178 : vector<128x128xf32> to vector<128x128xbf16>
    %dot_general3A_180 = arith.constant dense<0.000000e+00> : vector<6400x128xf32>
    %dot_general3A_181 = tpu.matmul %convert_element_type3A_173, %convert_element_type3A_179, %dot_general3A_180 {dimension_numbers = #tpu.dot_dimension_numbers<[1], [0], [0], [1], [0, 0, 1, 1], [], []>, transpose_lhs_hint = false} : vector<6400x128xbf16>, vector<128x128xbf16>, vector<6400x128xf32> -> vector<6400x128xf32>
    %get3A_182 = arith.constant 0 : index
    %get3A_183 = arith.constant 0 : index
    %get3A_184 = arith.constant 0 : index
    %get3A_185 = vector.load %arg1[%get3A_182, %get3A_183, %get3A_184] : memref<32x200x128xf32, #tpu.memory_space<vmem>>, vector<32x200x128xf32>
    %reshape3A = vector.shape_cast %get3A_185 : vector<32x200x128xf32> to vector<6400x128xf32>
    %add3A_186 = arith.addf %reshape3A, %dot_general3A_156 : vector<6400x128xf32>
    %add3A_187 = arith.addf %add3A_186, %dot_general3A_181 : vector<6400x128xf32>
    %reduce_sum3A = arith.constant dense<0.000000e+00> : vector<6400xf32>
    %reduce_sum3A_188 = vector.multi_reduction <add>, %add3A_187, %reduce_sum3A [1] : vector<6400x128xf32> to vector<6400xf32>
    %broadcast_in_dim3A_189 = vector.shape_cast %reduce_sum3A_188 : vector<6400xf32> to vector<6400x1xf32>
    %div3A_190 = arith.constant 1.280000e+02 : f32
    %div3A_191 = vector.broadcast %div3A_190 : f32 to vector<6400x1xf32>
    %div3A_192 = arith.divf %broadcast_in_dim3A_189, %div3A_191 : vector<6400x1xf32>
    %sub3A_193 = vector.broadcast %div3A_192 : vector<6400x1xf32> to vector<6400x128xf32>
    %sub3A_194 = arith.subf %add3A_187, %sub3A_193 : vector<6400x128xf32>
    %mul3A_195 = arith.mulf %sub3A_194, %sub3A_194 : vector<6400x128xf32>
    %reduce_sum3A_196 = arith.constant dense<0.000000e+00> : vector<6400xf32>
    %reduce_sum3A_197 = vector.multi_reduction <add>, %mul3A_195, %reduce_sum3A_196 [1] : vector<6400x128xf32> to vector<6400xf32>
    %broadcast_in_dim3A_198 = vector.shape_cast %reduce_sum3A_197 : vector<6400xf32> to vector<6400x1xf32>
    %div3A_199 = arith.constant 1.280000e+02 : f32
    %div3A_200 = vector.broadcast %div3A_199 : f32 to vector<6400x1xf32>
    %div3A_201 = arith.divf %broadcast_in_dim3A_198, %div3A_200 : vector<6400x1xf32>
    %add3A_202 = arith.constant 9.99999974E-6 : f32
    %add3A_203 = vector.broadcast %add3A_202 : f32 to vector<6400x1xf32>
    %add3A_204 = arith.addf %div3A_201, %add3A_203 : vector<6400x1xf32>
    %rsqrt3A = math.rsqrt %add3A_204 : vector<6400x1xf32>
    %mul3A_205 = vector.broadcast %rsqrt3A : vector<6400x1xf32> to vector<6400x128xf32>
    %mul3A_206 = arith.mulf %sub3A_194, %mul3A_205 : vector<6400x128xf32>
    %get3A_207 = arith.constant 0 : index
    %get3A_208 = arith.constant 0 : index
    %get3A_209 = vector.load %arg18[%get3A_207, %get3A_208] : memref<1x128xf32, #tpu.memory_space<vmem>>, vector<1x128xf32>
    %mul3A_210 = vector.broadcast %get3A_209 : vector<1x128xf32> to vector<6400x128xf32>
    %mul3A_211 = arith.mulf %mul3A_206, %mul3A_210 : vector<6400x128xf32>
    %get3A_212 = arith.constant 0 : index
    %get3A_213 = arith.constant 0 : index
    %get3A_214 = vector.load %arg19[%get3A_212, %get3A_213] : memref<1x128xf32, #tpu.memory_space<vmem>>, vector<1x128xf32>
    %add3A_215 = vector.broadcast %get3A_214 : vector<1x128xf32> to vector<6400x128xf32>
    %add3A_216 = arith.addf %mul3A_211, %add3A_215 : vector<6400x128xf32>
    %reshape3A_217 = vector.shape_cast %add3A_216 : vector<6400x128xf32> to vector<32x200x128xf32>
    %swap3A = arith.constant 0 : index
    %swap3A_218 = arith.constant 0 : index
    %swap3A_219 = arith.constant 0 : index
    %swap3A_220 = vector.load %arg21[%swap3A, %swap3A_218, %swap3A_219] : memref<32x200x128xf32, #tpu.memory_space<vmem>>, vector<32x200x128xf32>
    tpu.vector_store %arg21[%swap3A, %swap3A_218, %swap3A_219], %reshape3A_217 {strides = array<i32>} : memref<32x200x128xf32, #tpu.memory_space<vmem>>, vector<32x200x128xf32>,
    return
  }
  func.func @transform_0(%arg0: i32) -> (i32, i32, i32) {
    %c0_i32 = arith.constant 0 : i32
    %c0_i32_0 = arith.constant 0 : i32
    %c0_i32_1 = arith.constant 0 : i32
    return %arg0, %c0_i32, %c0_i32_0 : i32, i32, i32
  }
  func.func @transform_1(%arg0: i32) -> (i32, i32) {
    %c0_i32 = arith.constant 0 : i32
    %c0_i32_0 = arith.constant 0 : i32
    return %c0_i32, %arg0 : i32, i32
  }
  func.func @transform_2(%arg0: i32) -> (i32, i32) {
    %c0_i32 = arith.constant 0 : i32
    %c0_i32_0 = arith.constant 0 : i32
    return %c0_i32, %arg0 : i32, i32
  }
  func.func @transform_3(%arg0: i32) -> (i32, i32) {
    %c0_i32 = arith.constant 0 : i32
    %c0_i32_0 = arith.constant 0 : i32
    return %arg0, %c0_i32 : i32, i32
  }
  func.func @transform_4(%arg0: i32) -> (i32, i32) {
    %c0_i32 = arith.constant 0 : i32
    %c0_i32_0 = arith.constant 0 : i32
    return %arg0, %c0_i32 : i32, i32
  }
  func.func @transform_5(%arg0: i32) -> (i32, i32) {
    %c0_i32 = arith.constant 0 : i32
    %c0_i32_0 = arith.constant 0 : i32
    %c0_i32_1 = arith.constant 0 : i32
    return %c0_i32, %c0_i32_0 : i32, i32
  }
  func.func @transform_6(%arg0: i32) -> (i32, i32) {
    %c0_i32 = arith.constant 0 : i32
    %c0_i32_0 = arith.constant 0 : i32
    %c0_i32_1 = arith.constant 0 : i32
    return %c0_i32, %c0_i32_0 : i32, i32
  }
  func.func @transform_7(%arg0: i32) -> (i32, i32) {
    %c0_i32 = arith.constant 0 : i32
    %c0_i32_0 = arith.constant 0 : i32
    %c0_i32_1 = arith.constant 0 : i32
    return %c0_i32, %c0_i32_0 : i32, i32
  }
  func.func @transform_8(%arg0: i32) -> (i32, i32) {
    %c0_i32 = arith.constant 0 : i32
    %c0_i32_0 = arith.constant 0 : i32
    %c0_i32_1 = arith.constant 0 : i32
    return %c0_i32, %c0_i32_0 : i32, i32
  }
  func.func @transform_9(%arg0: i32) -> (i32, i32) {
    %c0_i32 = arith.constant 0 : i32
    %c0_i32_0 = arith.constant 0 : i32
    %c0_i32_1 = arith.constant 0 : i32
    return %c0_i32, %c0_i32_0 : i32, i32
  }
  func.func @transform_10(%arg0: i32) -> (i32, i32) {
    %c0_i32 = arith.constant 0 : i32
    %c0_i32_0 = arith.constant 0 : i32
    %c0_i32_1 = arith.constant 0 : i32
    return %c0_i32, %c0_i32_0 : i32, i32
  }
  func.func @transform_11(%arg0: i32) -> (i32, i32) {
    %c0_i32 = arith.constant 0 : i32
    %c0_i32_0 = arith.constant 0 : i32
    %c0_i32_1 = arith.constant 0 : i32
    return %c0_i32, %c0_i32_0 : i32, i32
  }
  func.func @transform_12(%arg0: i32) -> (i32, i32) {
    %c0_i32 = arith.constant 0 : i32
    %c0_i32_0 = arith.constant 0 : i32
    %c0_i32_1 = arith.constant 0 : i32
    return %c0_i32, %c0_i32_0 : i32, i32
  }
  func.func @transform_13(%arg0: i32) -> (i32, i32) {
    %c0_i32 = arith.constant 0 : i32
    %c0_i32_0 = arith.constant 0 : i32
    %c0_i32_1 = arith.constant 0 : i32
    return %c0_i32, %c0_i32_0 : i32, i32
  }
  func.func @transform_14(%arg0: i32) -> (i32, i32) {
    %c0_i32 = arith.constant 0 : i32
    %c0_i32_0 = arith.constant 0 : i32
    %c0_i32_1 = arith.constant 0 : i32
    return %c0_i32, %c0_i32_0 : i32, i32
  }
  func.func @transform_15(%arg0: i32) -> (i32, i32) {
    %c0_i32 = arith.constant 0 : i32
    %c0_i32_0 = arith.constant 0 : i32
    %c0_i32_1 = arith.constant 0 : i32
    return %c0_i32, %c0_i32_0 : i32, i32
  }
  func.func @transform_16(%arg0: i32) -> (i32, i32) {
    %c0_i32 = arith.constant 0 : i32
    %c0_i32_0 = arith.constant 0 : i32
    %c0_i32_1 = arith.constant 0 : i32
    return %c0_i32, %c0_i32_0 : i32, i32
  }
  func.func @transform_17(%arg0: i32) -> (i32, i32) {
    %c0_i32 = arith.constant 0 : i32
    %c0_i32_0 = arith.constant 0 : i32
    %c0_i32_1 = arith.constant 0 : i32
    return %c0_i32, %c0_i32_0 : i32, i32
  }
  func.func @transform_18(%arg0: i32) -> (i32, i32) {
    %c0_i32 = arith.constant 0 : i32
    %c0_i32_0 = arith.constant 0 : i32
    %c0_i32_1 = arith.constant 0 : i32
    return %c0_i32, %c0_i32_0 : i32, i32
  }
  func.func @transform_19(%arg0: i32) -> i32 {
    %c0_i32 = arith.constant 0 : i32
    %c0_i32_0 = arith.constant 0 : i32
    return %c0_i32 : i32
  }
  func.func @transform_20(%arg0: i32) -> (i32, i32, i32) {
    %c0_i32 = arith.constant 0 : i32
    %c0_i32_0 = arith.constant 0 : i32
    %c0_i32_1 = arith.constant 0 : i32
    return %arg0, %c0_i32, %c0_i32_0 : i32, i32, i32
  }
}

</mosaic_0001>

<sc_bundles>
// kernel: kernel.4.cloned.1.call-start
scs
__scs_entry_jumppad:
0x0: {  	(pc) =	sbr.rel $0x88, $3  }
0x1: {  	(tag) =	ssettag $0x0;
	lr =	simm.s32 $0x1  }
0x2: {  	[smem:$0x3F89] =	sst lr;
	_ =	strace $0xD0000000  }
0x3: {  	_ = 	snop  }
0x4: {  	_ = 	snop  }
0x5: {  	_ = 	snop  }
0x6: {  	_ = 	snop  }
0x7: {  	_ = 	snop  }
__scs_overlays_trampoline_lowered:
0x8: {  	[smem:$0x3F98] =	sst s0  }
0x9: {  	[smem:$0x3F99] =	sst s1  }
0xa: {  	[smem:$0x3F9A] =	sst s2  }
0xb: {  	[smem:$0x3F9B] =	sst s3  }
0xc: {  	[smem:$0x3F9C] =	sst s4  }
0xd: {  	[smem:$0x3F9D] =	sst s5  }
0xe: {  	[smem:$0x3F9E] =	sst s6  }
0xf: {  	[smem:$0x3F9F] =	sst s7  }
0x10: {  	[smem:$0x3FA0] =	sst s8  }
0x11: {  	[smem:$0x3FA1] =	sst s9;
	s0 =	simm.s32 @!p0 $0x0  }
0x12: {  	s1 =	sld [smem:$0x3F87];
	s0 =	simm.s32 @p0 $0x1  }
0x13: {  	[smem:$0x3FA2] =	sst s0;
	s0 =	simm.s32 @!p1 $0x0  }
0x14: {  	s2 =	sld [smem:$0x3F86];
	s0 =	simm.s32 @p1 $0x1  }
0x15: {  	[smem:$0x3FA3] =	sst s0;
	s0 =	simm.s32 @!p2 $0x0  }
0x16: {  	s3 =	sld [smem:$0x3FDB];
	s0 =	simm.s32 @p2 $0x1  }
0x17: {  	s4 =	simm.s32 $0x1BF5;
	[smem:$0x3FA5] =	sst s0  }
0x18: {  	s0 =	sld [smem:$0x3F88];
	_ =	swait.ge [sflag:s4], $0x0  }
0x19: {  	s7 =	sld [smem:$0x3F89]  }
0x1a: {  	s8 =	sadd.s32 $0xFFFFE003, lr  }
0x1b: {  	s9 =	sadd.s32 $0xFFFFFEF7, lr;
	s5 =	simm.s32 $0xFFFFFFFF;
	p2 =	slt.u32 s8, $0xFFFFF086  }
0x1c: {  	p1 =	slt.u32 s9, $0xF7A;
	s5 =	simm.s32 @!p2 $0x0  }
0x1d: {  	s5 =	simm.s32 @p1 $0x1;
	p0 =	seq.s32 s7, s2  }
0x1e: {  	s7 =	smul.u32 @!p0 $0xF7A, s2;
	p2 =	seq.s32 @!p0 s5, $0x0  }
0x1f: {  	s9 =	smul.u32 $0xF7A, s1;
	s8 =	simm.s32 @!p0 $0x1BF5;
	p2 =	por !p2, p0  }
0x20: {  	[sflag:s8] =	ssyncset.s32 @!p0 $0xFFFFF086;
	s6 =	sadd.s32 @!p0 s3, s7;
	s7 =	simm.s32 @!p0 $0x108  }
0x21: {  	s3 =	sadd.s32 s3, s9;
	s6 =	sadd.s32 @!p0 $0x88, s6;
	s7 =	simm.s32 @p2 $0x1082  }
0x22: {  	[simem:s7], [sflag:s8] =	dma.local @!p0 [hbm:s6], $0xF7A  }
0x23: {  	s9 =	sor.u32 $0xD0000000, s2;
	s6 =	simm.s32 $0x108;
	_ =	swait.ge @!p0 [sflag:s8], $0x0  }
0x24: {  	s3 =	sadd.s32 $0x88, s3;
	s6 =	simm.s32 @!p1 $0x1082;
	[sflag:s4] =	ssyncset.s32 $0xFFFFF086  }
0x25: {  	[simem:s6], [sflag:s4] =	dma.local [hbm:s3], $0xF7A  }
0x26: {  	[smem:$0x3F89] =	sst s1;
	(tag) =	ssettag s2;
	_ =	strace s9  }
0x27: {  	s1 =	sld [smem:$0x3F99]  }
0x28: {  	s2 =	sld [smem:$0x3F9A]  }
0x29: {  	s4 =	sld [smem:$0x3F9C]  }
0x2a: {  	p0 =	seq.s32 s5, $0x0;
	s5 =	sld [smem:$0x3F9D]  }
0x2b: {  	s6 =	sld [smem:$0x3F9E]  }
0x2c: {  	s7 =	sld [smem:$0x3F9F]  }
0x2d: {  	s3 =	simm.s32 $0x108;
	s8 =	sld [smem:$0x3FA0]  }
0x2e: {  	s3 =	simm.s32 @!p0 $0x1082;
	s9 =	sld [smem:$0x3FA1]  }
0x2f: {  	lr =	sadd.s32 s0, s3;
	s0 =	sld [smem:$0x3F98]  }
0x30: {  	s3 =	sld [smem:$0x3F9B]  }
0x31: {  	[smem:$0x3FA4] =	sst s10  }
0x32: {  	s10 =	sld [smem:$0x3FA2];
	_ =	sdelay $0x3  }
0x33: {  	p0 =	seq.s32 s10, $0x1;
	s10 =	sld [smem:$0x3FA4];
	_ =	sdelay $0x3  }
0x34: {  	[smem:$0x3FA4] =	sst s10  }
0x35: {  	s10 =	sld [smem:$0x3FA3];
	_ =	sdelay $0x3  }
0x36: {  	p1 =	seq.s32 s10, $0x1;
	s10 =	sld [smem:$0x3FA4];
	_ =	sdelay $0x3  }
0x37: {  	[smem:$0x3FA4] =	sst s10  }
0x38: {  	s10 =	sld [smem:$0x3FA5]  }
0x39: {  	_ = 	snop;
	(pc) =	sbr.ind lr, $3  }
0x3a: {  	_ = 	snop  }
0x3b: {  	_ = 	snop  }
0x3c: {  	p2 =	seq.s32 s10, $0x1;
	s10 =	sld [smem:$0x3FA4]  }
0x3d: {  	_ =	shalt  }
0x3e: {  	_ =	shalt  }
0x3f: {  	_ =	shalt  }
0x40: {  	_ =	shalt  }
0x41: {  	_ =	shalt  }
0x42: {  	_ =	shalt  }
0x43: {  	_ =	shalt  }
0x44: {  	_ =	shalt  }
0x45: {  	_ =	shalt  }
0x46: {  	_ =	shalt  }
0x47: {  	_ =	shalt  }
0x48: {  	_ =	shalt  }
0x49: {  	_ =	shalt  }
0x4a: {  	_ =	shalt  }
0x4b: {  	_ =	shalt  }
0x4c: {  	_ =	shalt  }
0x4d: {  	_ =	shalt  }
0x4e: {  	_ =	shalt  }
0x4f: {  	_ =	shalt  }
0x50: {  	_ =	shalt  }
0x51: {  	_ =	shalt  }
0x52: {  	_ =	shalt  }
0x53: {  	_ =	shalt  }
0x54: {  	_ =	shalt  }
0x55: {  	_ =	shalt  }
0x56: {  	_ =	shalt  }
0x57: {  	_ =	shalt  }
0x58: {  	_ =	shalt  }
0x59: {  	_ =	shalt  }
0x5a: {  	_ =	shalt  }
0x5b: {  	_ =	shalt  }
0x5c: {  	_ =	shalt  }
0x5d: {  	_ =	shalt  }
0x5e: {  	_ =	shalt  }
0x5f: {  	_ =	shalt  }
0x60: {  	_ =	shalt  }
0x61: {  	_ =	shalt  }
0x62: {  	_ =	shalt  }
0x63: {  	_ =	shalt  }
0x64: {  	_ =	shalt  }
0x65: {  	_ =	shalt  }
0x66: {  	_ =	shalt  }
0x67: {  	_ =	shalt  }
0x68: {  	_ =	shalt  }
0x69: {  	_ =	shalt  }
0x6a: {  	_ =	shalt  }
0x6b: {  	_ =	shalt  }
0x6c: {  	_ =	shalt  }
0x6d: {  	_ =	shalt  }
0x6e: {  	_ =	shalt  }
0x6f: {  	_ =	shalt  }
0x70: {  	_ =	shalt  }
0x71: {  	_ =	shalt  }
0x72: {  	_ =	shalt  }
0x73: {  	_ =	shalt  }
0x74: {  	_ =	shalt  }
0x75: {  	_ =	shalt  }
0x76: {  	_ =	shalt  }
0x77: {  	_ =	shalt  }
0x78: {  	_ =	shalt  }
0x79: {  	_ =	shalt  }
0x7a: {  	_ =	shalt  }
0x7b: {  	_ =	shalt  }
0x7c: {  	_ =	shalt  }
0x7d: {  	_ =	shalt  }
0x7e: {  	_ =	shalt  }
0x7f: {  	_ =	shalt  }
0x80: {  	_ =	shalt  }
0x81: {  	_ =	shalt  }
0x82: {  	_ =	shalt  }
0x83: {  	_ =	shalt  }
0x84: {  	_ =	shalt  }
0x85: {  	_ =	shalt  }
0x86: {  	_ =	shalt  }
0x87: {  	_ =	shalt  }
.Lfunc_end0:
.L_simem_size_0:
called_computation_lowered:
.L_overlay_start_0:
0x88: {  	s2 =	sld [smem:$0x3FD9]  }
0x89: {  	s3 =	sld [smem:$0x3FFE];
	_ =	sdelay $0x1  }
0x8a: {  	s1 =	srdreg.scid  }
0x8b: {  	s0 =	sand.u32 $0x1, s1  }
0x8c: {  	s18 =	sshll.u32 s0, $0xA;
	s2 =	sadd.s32 s3, s2  }
0x8d: {  	s2 =	sadd.s32 s2, s18  }
0x8e: {  	[smem:$0x3FB0] =	sst s2  }
0x8f: {  	_ = 	snop  }
0x90: {  	s2 =	sld [smem:$0x3FC5]  }
0x91: {  	s19 =	sld [smem:$0x3FB8]  }
0x92: {  	s4 =	sld [smem:$0x3FD0];
	(tm) =	ssettm $0x1  }
0x93: {  	s5 =	sld [smem:$0x3FFB];
	_ =	sdelay $0x3  }
0x94: {  	_ =	strace s5  }
0x95: {  	s5 =	sld [smem:$0x3FFC];
	_ =	sdelay $0x3  }
0x96: {  	_ =	strace s5  }
0x97: {  	s5 =	sld [smem:$0x3FFD];
	_ =	sdelay $0x3  }
0x98: {  	_ =	strace s5  }
0x99: {  	_ =	strace $0x8FFFFFFF  }
0x9a: {  	s20 =	sld [smem:$0x3FDB];
	_ =	sdelay $0x1  }
0x9b: {  	s6 =	simm.s32 $_scs_section_size  }
0x9c: {  	s7 =	simm.s32 $_size__tile_overlayer_lowered;
	s8 =	simm.s32 $_tile_overlayer_lowered  }
0x9d: {  	s23 =	simm.s32 $0x1BFF;
	s22 =	sshll.u32 s8, $0x1;
	s5 =	sadd.s32 s6, s20  }
0x9e: {  	s9 =	simm.s32 $0x0;
	s21 =	sshll.u32 s7, $0x1;
	s7 =	sadd.s32 s22, s5  }
0x9f: {  	[timem:s9], [sflag:s23] =	dma.local [hbm:s7], s21  }
0xa0: {  	_ =	swait.ge [sflag:s23], s21  }
0xa1: {  	s6 =	ssub.s32 $0x0, s21;
	[sflag:s23] =	ssyncset.done $0x0  }
0xa2: {  	[sflag:s23] =	ssyncadd.s32 s6;
	_ =	sdelay $0x1  }
0xa3: {  	s24 =	simm.s32 $0x1B8B  }
0xa4: {  	_ =	swait.ge [sflag:s24], $0x1  }
0xa5: {  	[sflag:s24] =	ssyncset.done $0x0  }
0xa6: {  	s25 =	simm.s32 $0x1B8E;
	[sflag:s24] =	ssyncadd.s32 $0xFFFFFFFF  }
0xa7: {  	s26 =	simm.s32 $execute0_lowered;
	[smem:$0x3FD2] =	sst s25  }
0xa8: {  	s6 =	sshll.u32 s26, $0x1;
	_ =	strace $0x80000046;
	[dreg:$0x1] =	wrdreg $0xFFFFFFFF  }
0xa9: {  	s28 =	simm.s32 $_size_execute0_lowered;
	s5 =	sadd.s32 s5, s6;
	[dreg:$0x0] =	wrdreg $0x0  }
0xaa: {  	s6 =	sshll.u32 s28, $0x1;
	[dreg:$0x2] =	wrdreg s5  }
0xab: {  	[dreg:$0x3] =	wrdreg s6  }
0xac: {  	[dreg:$0x4] =	wrdreg $0xC0  }
0xad: {  	_ =	task [dreg:s9], $0x5FFFF  }
0xae: {  	[dreg:$0x1] =	wrdreg $0xFFFFFFFF  }
0xaf: {  	[dreg:$0x0] =	wrdreg $0x60  }
0xb0: {  	[dreg:$0x2] =	wrdreg s19  }
0xb1: {  	[dreg:$0x3] =	wrdreg s2  }
0xb2: {  	[dreg:$0x4] =	wrdreg s4  }
0xb3: {  	[dreg:$0x5] =	wrdreg $0x9  }
0xb4: {  	_ =	task.clear_ibuf [dreg:s9], $0x6FFFF;
	_ =	strace $0x90000046  }
0xb5: {  	s29 =	simm.s32 $0x9;
	_ =	strace $0x80000048  }
0xb6: {  	_ =	swait.ge [sflag:s29], $0x1  }
0xb7: {  	[sflag:s29] =	ssyncadd.s32 $0xFFFFFFFF  }
0xb8: {  	_ =	strace $0x90000048  }
0xb9: {  	_ =	sfence  }
0xba: {  	s30 =	sld [smem:$0x0];
	_ =	sdelay $0x2  }
0xbb: {  	s31 =	sshll.u32 s1, $0xD;
	s1 =	sshrl.u32 s1, $0x2  }
0xbc: {  	s3 =	sand.u32 $0x4000, s31;
	s1 =	sadd.s32 s1, s30  }
0xbd: {  	s0 =	sor.u32 s3, s0;
	s1 =	sshll.u32 s1, $0x11  }
0xbe: {  	s0 =	sor.u32 s1, s0  }
0xbf: {  	s0 =	sadd.s32 $0x8F2B, s0  }
0xc0: {  	[sflag:s0] =	ssyncadd.remote.s32 $0x1  }
0xc1: {  	_ =	sfence.sel $0xFFFF  }
0xc2: {  	[dreg:$0x0] =	wrdreg $0xFFFFFFFF;
	(pc) =	sbr.abs _section_cstart, $3  }
0xc3: {  	[dreg:$0x1] =	wrdreg $0xFFFFFFFF  }
0xc4: {  	_ =	task.clear_ibuf [dreg:s9], $0x2FFFF;
	_ =	strace $0x9FFFFFFF  }
0xc5: {  	(tm) =	ssettm $0x7FFFFFFF  }
tec
execute0_lowered:
.L_overlay_start_1:
0x0: {  	(tag) =	ssettag $0x1  }
0x1: {  	s1 =	rddreg [dreg:$0x0]  }
0x2: {  	s2 =	srdreg.scid;
	s4 =	rddreg [dreg:$0x1]  }
0x3: {  	s0 =	stileid.u32;
	s9 =	rddreg [dreg:$0x2];
	s6 =	sand.u32 $0x1, s2  }
0x4: {  	s3 =	simm.s32 $0x0;
	s5 =	sshll.u32 s0, $0x6;
	s7 =	sshll.u32 s6, $0x5  }
0x5: {  	[smem:$0x7FF] =	sst s3;
	s10 =	sor.u32 s7, s5  }
0x6: {  	s2 =	rddreg [dreg:$0x3];
	_ =	strace $0x80000047;
	s5 =	sshrl.u32 s10, $0x3  }
0x7: {  	s11 =	ssub.s32 $0x2, s6;
	s5 =	sadd.s32 s4, s5;
	s4 =	simm.s32 $0x2  }
0x8: {  	[tilespmem:s3], [sflag:$0x2] =	stream.linear.gather [hbm4b:s5+s3], $0x20, $0x38;
	[tilespmem:$0x1080] =	vst v63  }
0x9: {  	s8 =	simm.s32 $0x1;
	s12 =	sshrl.u32 s11, $0x1;
	_ =	swait.ge [sflag:s4], $0x20  }
0xa: {  	s6 =	simm.s32 $0x20;
	s11 =	ssub.s32 s11, s12;
	[sflag:s4] =	ssyncset.done $0x0  }
0xb: {  	s7 =	simm.s32 $0x80;
	s31 =	smax.u32 s11, $0x1;
	[sflag:s4] =	ssyncadd.s32 $0xFFFFFFE0  }
0xc: {  	[tilespmem:s7], [sflag:$0x1] =	stream.indirect.gather [hbm4b:s1+s6], $0x80, s3, s6, $0xb8;
	[tilespmem:$0x1080] =	vst v63  }
0xd: {  	p0 =	sne.s32 s31, $0x1;
	_ =	swait.ge [sflag:s8], $0x1000  }
.Ltmp0:
0xe: {  	s10 =	sshll.u32 s10, $0x4;
	[sflag:s8] =	ssyncset.done $0x0;
	(pc) =	sbr.rel @!p0 .LBB2_2-.Ltmp0, $4  }
0xf: {  	s9 =	sadd.s32 s9, s10;
	[sflag:s8] =	ssyncadd.s32 $0xFFFFF000  }
0x10: {  	[hbm4b:s9+s3] =	stream.linear.scatter [tilespmem:s7], [sflag:$0x2], $0x1000, $0x38;
	[tilespmem:$0x1080] =	vst v63  }
0x11: {  	_ =	swait.ge [sflag:s4], $0x1000  }
0x12: {  	s10 =	sadd.s32 $0xFFFFFFFF, s31;
	[sflag:s4] =	ssyncset.done $0x0  }
.LBB2_1:
0x13: {  	p0 =	sne.s32 s10, $0x1;
	s10 =	sadd.s32 $0xFFFFFFFF, s10;
	[sflag:s4] =	ssyncadd.s32 $0xFFFFF000  }
0x14: {  	[tilespmem:s3], [sflag:$0x2] =	stream.linear.gather [hbm4b:s5+s3], $0x20, $0x38;
	[tilespmem:$0x1080] =	vst v63  }
0x15: {  	_ =	swait.ge [sflag:s4], $0x20  }
0x16: {  	[sflag:s4] =	ssyncset.done $0x0  }
0x17: {  	[sflag:s4] =	ssyncadd.s32 $0xFFFFFFE0  }
0x18: {  	[tilespmem:s7], [sflag:$0x1] =	stream.indirect.gather [hbm4b:s1+s6], $0x80, s3, s6, $0xb8;
	[tilespmem:$0x1080] =	vst v63  }
0x19: {  	_ =	swait.ge [sflag:s8], $0x1000  }
.Ltmp1:
0x1a: {  	[sflag:s8] =	ssyncset.done $0x0;
	(pc) =	sbr.rel @p0 .LBB2_1-.Ltmp1, $4  }
0x1b: {  	[sflag:s8] =	ssyncadd.s32 $0xFFFFF000  }
0x1c: {  	[hbm4b:s9+s3] =	stream.linear.scatter [tilespmem:s7], [sflag:$0x2], $0x1000, $0x38;
	[tilespmem:$0x1080] =	vst v63  }
0x1d: {  	_ =	swait.ge [sflag:s4], $0x1000  }
0x1e: {  	[sflag:s4] =	ssyncset.done $0x0  }
.LBB2_2:
0x1f: {  	[sflag:s4] =	ssyncadd.s32 $0xFFFFF000  }
0x20: {  	_ =	sfence.sel $0x180000  }
0x21: {  	[bflag:$0x0] =	sbarrier.arrive $0xFFFF  }
0x22: {  	p0 =	sne.s32 s0, $0x0;
	_ =	strace $0x90000047  }
0x23: {  	s0 =	sadd.s32 @!p0 $0x100000, s2;
	[bflag:$0x2] =	sbarrier.arrive $0xFFFF  }
0x24: {  	[sflag:s0] =	ssyncadd.tile.s32 @!p0 $0x1;
	_ =	shalt  }
.Lfunc_end2:
_tile_overlayer_lowered:
.L_overlay_start_2:
0x25: {  	(tag) =	ssettag $0x2  }
0x26: {  	s0 =	rddreg [dreg:$0x0];
	s2 =	stileid.u32  }
0x27: {  	s1 =	rddreg [dreg:$0x1];
	p0 =	sne.s32 s2, $0x0  }
0x28: {  	s3 =	rddreg [dreg:$0x2];
	[bflag:$0x3] =	sbarrier.arrive $0xFFFF;
	s2 =	simm.s32 @!p0 $0x1C02  }
0x29: {  	[timem:s3], [sflag:s2] =	dma.local @!p0 [hbm:s0], s1  }
0x2a: {  	s0 =	simm.s32 @!p0 $0x2  }
0x2b: {  	_ =	swait.ge @!p0 [sflag:s0], s1  }
0x2c: {  	s1 =	ssub.s32 @!p0 $0x0, s1;
	[sflag:s0] =	ssyncset.done @!p0 $0x0  }
0x2d: {  	[sflag:s0] =	ssyncadd.s32 @!p0 s1  }
0x2e: {  	[bflag:$0x3] =	sbarrier.arrive $0xFFFF  }
0x2f: {  	_ =	shalt  }

</sc_bundles>
